<compile_context>
chip_gen: v7x
topology: tpu7x:2x2x1
jax: 0.10.2.dev20260603
libtpu: 0.0.44.dev20260713+nightly
codegen_flags: <defaults>
</compile_context>

<pallas_src>
import functools

import jax
import jax.numpy as jnp
from jax import lax
from jax.experimental import pallas as pl
from jax.experimental.pallas import tpu as pltpu
from jax.experimental.pallas import tpu_sc as plsc

VOCAB = 1000000
EMBED = 32
NUM_CLASSES = 2
BATCH = 16384

NC = 2
NS = 16
NW = NC * NS
B_PER_W = BATCH // NW
GCH = 128
L = 16

BN = 65536


def _mm_body(x_ref, w_ref, b_ref, o0_ref, o1_ref):
    x = x_ref[...]
    w = w_ref[...]
    b = b_ref[...]
    y = lax.dot_general(w, x, (((1,), (0,)), ((), ())),
                        preferred_element_type=jnp.float32,
                        precision=lax.Precision.DEFAULT)
    o0_ref[...] = y[0] + b[0, 0]
    o1_ref[...] = y[1] + b[0, 1]


def _tc_vocab_linear(tabT, W, b2):
    grid = (VOCAB + BN - 1) // BN
    return pl.pallas_call(
        _mm_body,
        grid=(grid,),
        in_specs=[
            pl.BlockSpec((EMBED, BN), lambda i: (0, i),
                         pipeline_mode=pl.Buffered(buffer_count=2)),
            pl.BlockSpec((NUM_CLASSES, EMBED), lambda i: (0, 0)),
            pl.BlockSpec((1, NUM_CLASSES), lambda i: (0, 0)),
        ],
        out_specs=[
            pl.BlockSpec((BN,), lambda i: (i,)),
            pl.BlockSpec((BN,), lambda i: (i,)),
        ],
        out_shape=[
            jax.ShapeDtypeStruct((VOCAB,), jnp.float32),
            jax.ShapeDtypeStruct((VOCAB,), jnp.float32),
        ],
    )(tabT, W, b2)


def _sc_gather_planes(P0, P1, word_ids):
    mesh = plsc.VectorSubcoreMesh(core_axis_name="c", subcore_axis_name="s")

    @functools.partial(
        pl.kernel,
        mesh=mesh,
        out_type=jax.ShapeDtypeStruct((BATCH * NUM_CLASSES,), jnp.float32),
        compiler_params=pltpu.CompilerParams(needs_layout_passes=False),
        scratch_types=[
            pltpu.VMEM((B_PER_W,), jnp.int32),
            pltpu.VMEM((B_PER_W,), jnp.float32),
            pltpu.VMEM((B_PER_W,), jnp.float32),
            pltpu.SemaphoreType.DMA,
        ],
    )
    def k(p0_hbm, p1_hbm, idx_hbm, out_hbm,
          idx_v, vals0_v, vals1_v, sem):
        wid = lax.axis_index("s") * NC + lax.axis_index("c")
        base = wid * B_PER_W
        pltpu.sync_copy(idx_hbm.at[pl.ds(base, B_PER_W)], idx_v)

        cps = []
        for q in range(B_PER_W // GCH):
            sl = pl.ds(q * GCH, GCH)
            cps.append(pltpu.async_copy(
                p0_hbm.at[idx_v.at[sl]], vals0_v.at[sl], sem))
            cps.append(pltpu.async_copy(
                p1_hbm.at[idx_v.at[sl]], vals1_v.at[sl], sem))
        for cp in cps:
            cp.wait()

        pltpu.sync_copy(vals0_v, out_hbm.at[pl.ds(base, B_PER_W)])
        pltpu.sync_copy(vals1_v, out_hbm.at[pl.ds(BATCH + base, B_PER_W)])

    return k(P0, P1, word_ids)


def kernel(word_ids, embedding, W, b):
    tabT = embedding.T
    P0, P1 = _tc_vocab_linear(tabT, W, b.reshape(1, NUM_CLASSES))
    flat = _sc_gather_planes(P0, P1, word_ids)
    return flat.reshape(NUM_CLASSES, BATCH).T

# --- scband reference (transcript-rebuilt; emitter-appended) ---
"""Pipeline reference for scband-naive-word-classifier-74019466379452 (READ-ONLY COPY).

The authoritative reference and input builder live on the scoring server;
editing this copy changes nothing except your own understanding.
"""

import jax, jax.numpy as jnp
import numpy as np

VOCAB = 1000000
EMBED = 32
NUM_CLASSES = 2
BATCH = 16384


def setup_inputs(seed: int = 0) -> dict:
    key = jax.random.key(seed)
    k_ids, k_emb, k_w, k_b = jax.random.split(key, 4)
    word_ids = jax.random.randint(k_ids, (BATCH,), 0, VOCAB, dtype=jnp.int64 if jax.config.jax_enable_x64 else jnp.int32).astype(jnp.int32)
    init_range = 1.0 / EMBED
    embedding = jax.random.uniform(k_emb, (VOCAB, EMBED), dtype=jnp.float32, minval=-init_range, maxval=init_range)
    # Linear layer params (PyTorch default init ~ U(-1/sqrt(fan_in), 1/sqrt(fan_in)))
    bound = 1.0 / np.sqrt(EMBED)
    W = jax.random.uniform(k_w, (NUM_CLASSES, EMBED), dtype=jnp.float32, minval=-bound, maxval=bound)
    b = jax.random.uniform(k_b, (NUM_CLASSES,), dtype=jnp.float32, minval=-bound, maxval=bound)
    return {"word_ids": word_ids, "embedding": embedding, "W": W, "b": b}


def reference(word_ids, embedding, W, b):
    # features = self.embedding(word_ids)
    features = jnp.take(embedding, word_ids, axis=0)
    # dropout with p=0.0 (eval/identity)
    dropped = features
    # logits = self.linear(dropped)
    logits = dropped @ W.T + b
    return logits

if __name__ == "__main__":
    import jax
    _d = setup_inputs()
    print(jax.jit(kernel)(*tuple(_d.values())))

</pallas_src>

<mosaic_0001>
#map = affine_map<(d0, d1) -> (0)>
module attributes {stable_mosaic.version = 14 : i64} {
  func.func @k(%arg0: i32, %arg1: i32, %arg2: memref<1000000xf32, #tpu.memory_space<hbm>>, %arg3: memref<1000000xf32, #tpu.memory_space<hbm>>, %arg4: memref<16384xi32, #tpu.memory_space<hbm>>, %arg5: memref<32768xf32, #tpu.memory_space<hbm>>, %arg6: memref<512xi32, #tpu.memory_space<vmem>>, %arg7: memref<512xf32, #tpu.memory_space<vmem>>, %arg8: memref<512xf32, #tpu.memory_space<vmem>>, %arg9: memref<!tpu.dma_semaphore, #tpu.memory_space<semaphore_mem>>) attributes {dimension_semantics = [#tpu.dimension_semantics<core_parallel>, #tpu.dimension_semantics<subcore_parallel>], iteration_bounds = array<i64: 2, 16>, scalar_prefetch = 0 : i64, scratch_operands = 4 : i64, tpu.core_type = #tpu.core_type<sc_vector_subcore>, window_params = [{transform_indices = #map}, {transform_indices = #map}, {transform_indices = #map}, {transform_indices = #map}]} {
    %mul3A = arith.constant 2 : i32
    %mul3A_0 = arith.muli %arg1, %mul3A : i32
    %add3A = arith.addi %mul3A_0, %arg0 : i32
    %mul3A_1 = arith.constant 512 : i32
    %mul3A_2 = arith.muli %add3A, %mul3A_1 : i32
    "tpu.region"() ({
      %run_scoped3A = tpu.sem_alloc : memref<!tpu.dma_semaphore, #tpu.memory_space<semaphore_mem>>
      %dma_start3A_99 = tpu.memref_slice %arg4[%mul3A_2] : memref<16384xi32, #tpu.memory_space<hbm>> -> memref<512xi32, #tpu.memory_space<hbm>>
      %dma_start3A_100 = tpu.memref_slice %arg4[%mul3A_2] : memref<16384xi32, #tpu.memory_space<hbm>> -> memref<512xi32, #tpu.memory_space<hbm>>
      tpu.enqueue_dma source(%dma_start3A_100 : memref<512xi32, #tpu.memory_space<hbm>>) target(%arg6 : memref<512xi32, #tpu.memory_space<vmem>>) target_semaphore(%run_scoped3A : memref<!tpu.dma_semaphore, #tpu.memory_space<semaphore_mem>>)
      %dma_wait3A_101 = tpu.memref_slice %arg4[%mul3A_2] : memref<16384xi32, #tpu.memory_space<hbm>> -> memref<512xi32, #tpu.memory_space<hbm>>
      %dma_wait3A_102 = tpu.memref_slice %arg4[%mul3A_2] : memref<16384xi32, #tpu.memory_space<hbm>> -> memref<512xi32, #tpu.memory_space<hbm>>
      tpu.wait_dma2 semaphore(%run_scoped3A : memref<!tpu.dma_semaphore, #tpu.memory_space<semaphore_mem>>) src(%dma_wait3A_102 : memref<512xi32, #tpu.memory_space<hbm>>) dst(%arg6 : memref<512xi32, #tpu.memory_space<vmem>>)
      tpu.yield
    }) : () -> ()
    %dma_start3A = arith.constant 0 : i32
    %dma_start3A_3 = tpu.memref_slice %arg7[%dma_start3A] : memref<512xf32, #tpu.memory_space<vmem>> -> memref<128xf32, #tpu.memory_space<vmem>>
    %dma_start3A_4 = arith.constant 0 : i32
    %dma_start3A_5 = tpu.memref_slice %arg6[%dma_start3A_4] : memref<512xi32, #tpu.memory_space<vmem>> -> memref<128xi32, #tpu.memory_space<vmem>>
    %dma_start3A_6 = arith.constant 0 : i32
    %dma_start3A_7 = tpu.memref_slice %arg2[%dma_start3A_6] : memref<1000000xf32, #tpu.memory_space<hbm>> -> memref<1000000xf32, #tpu.memory_space<hbm>>
    tpu.enqueue_indirect_dma source(%dma_start3A_7 : memref<1000000xf32, #tpu.memory_space<hbm>>) target(%dma_start3A_3 : memref<128xf32, #tpu.memory_space<vmem>>) offsets(%dma_start3A_5 : memref<128xi32, #tpu.memory_space<vmem>>) semaphore(%arg9 : memref<!tpu.dma_semaphore, #tpu.memory_space<semaphore_mem>>)
    %dma_start3A_8 = arith.constant 0 : i32
    %dma_start3A_9 = tpu.memref_slice %arg8[%dma_start3A_8] : memref<512xf32, #tpu.memory_space<vmem>> -> memref<128xf32, #tpu.memory_space<vmem>>
    %dma_start3A_10 = arith.constant 0 : i32
    %dma_start3A_11 = tpu.memref_slice %arg6[%dma_start3A_10] : memref<512xi32, #tpu.memory_space<vmem>> -> memref<128xi32, #tpu.memory_space<vmem>>
    %dma_start3A_12 = arith.constant 0 : i32
    %dma_start3A_13 = tpu.memref_slice %arg3[%dma_start3A_12] : memref<1000000xf32, #tpu.memory_space<hbm>> -> memref<1000000xf32, #tpu.memory_space<hbm>>
    tpu.enqueue_indirect_dma source(%dma_start3A_13 : memref<1000000xf32, #tpu.memory_space<hbm>>) target(%dma_start3A_9 : memref<128xf32, #tpu.memory_space<vmem>>) offsets(%dma_start3A_11 : memref<128xi32, #tpu.memory_space<vmem>>) semaphore(%arg9 : memref<!tpu.dma_semaphore, #tpu.memory_space<semaphore_mem>>)
    %dma_start3A_14 = arith.constant 128 : i32
    %dma_start3A_15 = tpu.memref_slice %arg7[%dma_start3A_14] : memref<512xf32, #tpu.memory_space<vmem>> -> memref<128xf32, #tpu.memory_space<vmem>>
    %dma_start3A_16 = arith.constant 128 : i32
    %dma_start3A_17 = tpu.memref_slice %arg6[%dma_start3A_16] : memref<512xi32, #tpu.memory_space<vmem>> -> memref<128xi32, #tpu.memory_space<vmem>>
    %dma_start3A_18 = arith.constant 0 : i32
    %dma_start3A_19 = tpu.memref_slice %arg2[%dma_start3A_18] : memref<1000000xf32, #tpu.memory_space<hbm>> -> memref<1000000xf32, #tpu.memory_space<hbm>>
    tpu.enqueue_indirect_dma source(%dma_start3A_19 : memref<1000000xf32, #tpu.memory_space<hbm>>) target(%dma_start3A_15 : memref<128xf32, #tpu.memory_space<vmem>>) offsets(%dma_start3A_17 : memref<128xi32, #tpu.memory_space<vmem>>) semaphore(%arg9 : memref<!tpu.dma_semaphore, #tpu.memory_space<semaphore_mem>>)
    %dma_start3A_20 = arith.constant 128 : i32
    %dma_start3A_21 = tpu.memref_slice %arg8[%dma_start3A_20] : memref<512xf32, #tpu.memory_space<vmem>> -> memref<128xf32, #tpu.memory_space<vmem>>
    %dma_start3A_22 = arith.constant 128 : i32
    %dma_start3A_23 = tpu.memref_slice %arg6[%dma_start3A_22] : memref<512xi32, #tpu.memory_space<vmem>> -> memref<128xi32, #tpu.memory_space<vmem>>
    %dma_start3A_24 = arith.constant 0 : i32
    %dma_start3A_25 = tpu.memref_slice %arg3[%dma_start3A_24] : memref<1000000xf32, #tpu.memory_space<hbm>> -> memref<1000000xf32, #tpu.memory_space<hbm>>
    tpu.enqueue_indirect_dma source(%dma_start3A_25 : memref<1000000xf32, #tpu.memory_space<hbm>>) target(%dma_start3A_21 : memref<128xf32, #tpu.memory_space<vmem>>) offsets(%dma_start3A_23 : memref<128xi32, #tpu.memory_space<vmem>>) semaphore(%arg9 : memref<!tpu.dma_semaphore, #tpu.memory_space<semaphore_mem>>)
    %dma_start3A_26 = arith.constant 256 : i32
    %dma_start3A_27 = tpu.memref_slice %arg7[%dma_start3A_26] : memref<512xf32, #tpu.memory_space<vmem>> -> memref<128xf32, #tpu.memory_space<vmem>>
    %dma_start3A_28 = arith.constant 256 : i32
    %dma_start3A_29 = tpu.memref_slice %arg6[%dma_start3A_28] : memref<512xi32, #tpu.memory_space<vmem>> -> memref<128xi32, #tpu.memory_space<vmem>>
    %dma_start3A_30 = arith.constant 0 : i32
    %dma_start3A_31 = tpu.memref_slice %arg2[%dma_start3A_30] : memref<1000000xf32, #tpu.memory_space<hbm>> -> memref<1000000xf32, #tpu.memory_space<hbm>>
    tpu.enqueue_indirect_dma source(%dma_start3A_31 : memref<1000000xf32, #tpu.memory_space<hbm>>) target(%dma_start3A_27 : memref<128xf32, #tpu.memory_space<vmem>>) offsets(%dma_start3A_29 : memref<128xi32, #tpu.memory_space<vmem>>) semaphore(%arg9 : memref<!tpu.dma_semaphore, #tpu.memory_space<semaphore_mem>>)
    %dma_start3A_32 = arith.constant 256 : i32
    %dma_start3A_33 = tpu.memref_slice %arg8[%dma_start3A_32] : memref<512xf32, #tpu.memory_space<vmem>> -> memref<128xf32, #tpu.memory_space<vmem>>
    %dma_start3A_34 = arith.constant 256 : i32
    %dma_start3A_35 = tpu.memref_slice %arg6[%dma_start3A_34] : memref<512xi32, #tpu.memory_space<vmem>> -> memref<128xi32, #tpu.memory_space<vmem>>
    %dma_start3A_36 = arith.constant 0 : i32
    %dma_start3A_37 = tpu.memref_slice %arg3[%dma_start3A_36] : memref<1000000xf32, #tpu.memory_space<hbm>> -> memref<1000000xf32, #tpu.memory_space<hbm>>
    tpu.enqueue_indirect_dma source(%dma_start3A_37 : memref<1000000xf32, #tpu.memory_space<hbm>>) target(%dma_start3A_33 : memref<128xf32, #tpu.memory_space<vmem>>) offsets(%dma_start3A_35 : memref<128xi32, #tpu.memory_space<vmem>>) semaphore(%arg9 : memref<!tpu.dma_semaphore, #tpu.memory_space<semaphore_mem>>)
    %dma_start3A_38 = arith.constant 384 : i32
    %dma_start3A_39 = tpu.memref_slice %arg7[%dma_start3A_38] : memref<512xf32, #tpu.memory_space<vmem>> -> memref<128xf32, #tpu.memory_space<vmem>>
    %dma_start3A_40 = arith.constant 384 : i32
    %dma_start3A_41 = tpu.memref_slice %arg6[%dma_start3A_40] : memref<512xi32, #tpu.memory_space<vmem>> -> memref<128xi32, #tpu.memory_space<vmem>>
    %dma_start3A_42 = arith.constant 0 : i32
    %dma_start3A_43 = tpu.memref_slice %arg2[%dma_start3A_42] : memref<1000000xf32, #tpu.memory_space<hbm>> -> memref<1000000xf32, #tpu.memory_space<hbm>>
    tpu.enqueue_indirect_dma source(%dma_start3A_43 : memref<1000000xf32, #tpu.memory_space<hbm>>) target(%dma_start3A_39 : memref<128xf32, #tpu.memory_space<vmem>>) offsets(%dma_start3A_41 : memref<128xi32, #tpu.memory_space<vmem>>) semaphore(%arg9 : memref<!tpu.dma_semaphore, #tpu.memory_space<semaphore_mem>>)
    %dma_start3A_44 = arith.constant 384 : i32
    %dma_start3A_45 = tpu.memref_slice %arg8[%dma_start3A_44] : memref<512xf32, #tpu.memory_space<vmem>> -> memref<128xf32, #tpu.memory_space<vmem>>
    %dma_start3A_46 = arith.constant 384 : i32
    %dma_start3A_47 = tpu.memref_slice %arg6[%dma_start3A_46] : memref<512xi32, #tpu.memory_space<vmem>> -> memref<128xi32, #tpu.memory_space<vmem>>
    %dma_start3A_48 = arith.constant 0 : i32
    %dma_start3A_49 = tpu.memref_slice %arg3[%dma_start3A_48] : memref<1000000xf32, #tpu.memory_space<hbm>> -> memref<1000000xf32, #tpu.memory_space<hbm>>
    tpu.enqueue_indirect_dma source(%dma_start3A_49 : memref<1000000xf32, #tpu.memory_space<hbm>>) target(%dma_start3A_45 : memref<128xf32, #tpu.memory_space<vmem>>) offsets(%dma_start3A_47 : memref<128xi32, #tpu.memory_space<vmem>>) semaphore(%arg9 : memref<!tpu.dma_semaphore, #tpu.memory_space<semaphore_mem>>)
    %dma_wait3A = arith.constant 0 : i32
    %dma_wait3A_50 = tpu.memref_slice %arg7[%dma_wait3A] : memref<512xf32, #tpu.memory_space<vmem>> -> memref<128xf32, #tpu.memory_space<vmem>>
    %dma_wait3A_51 = arith.constant 0 : i32
    %dma_wait3A_52 = tpu.memref_slice %arg6[%dma_wait3A_51] : memref<512xi32, #tpu.memory_space<vmem>> -> memref<128xi32, #tpu.memory_space<vmem>>
    %dma_wait3A_53 = arith.constant 0 : i32
    %dma_wait3A_54 = tpu.memref_slice %arg2[%dma_wait3A_53] : memref<1000000xf32, #tpu.memory_space<hbm>> -> memref<1000000xf32, #tpu.memory_space<hbm>>
    tpu.wait_indirect_dma semaphore(%arg9 : memref<!tpu.dma_semaphore, #tpu.memory_space<semaphore_mem>>) src(%dma_wait3A_54 : memref<1000000xf32, #tpu.memory_space<hbm>>) dst(%dma_wait3A_50 : memref<128xf32, #tpu.memory_space<vmem>>)
    %dma_wait3A_55 = arith.constant 0 : i32
    %dma_wait3A_56 = tpu.memref_slice %arg8[%dma_wait3A_55] : memref<512xf32, #tpu.memory_space<vmem>> -> memref<128xf32, #tpu.memory_space<vmem>>
    %dma_wait3A_57 = arith.constant 0 : i32
    %dma_wait3A_58 = tpu.memref_slice %arg6[%dma_wait3A_57] : memref<512xi32, #tpu.memory_space<vmem>> -> memref<128xi32, #tpu.memory_space<vmem>>
    %dma_wait3A_59 = arith.constant 0 : i32
    %dma_wait3A_60 = tpu.memref_slice %arg3[%dma_wait3A_59] : memref<1000000xf32, #tpu.memory_space<hbm>> -> memref<1000000xf32, #tpu.memory_space<hbm>>
    tpu.wait_indirect_dma semaphore(%arg9 : memref<!tpu.dma_semaphore, #tpu.memory_space<semaphore_mem>>) src(%dma_wait3A_60 : memref<1000000xf32, #tpu.memory_space<hbm>>) dst(%dma_wait3A_56 : memref<128xf32, #tpu.memory_space<vmem>>)
    %dma_wait3A_61 = arith.constant 128 : i32
    %dma_wait3A_62 = tpu.memref_slice %arg7[%dma_wait3A_61] : memref<512xf32, #tpu.memory_space<vmem>> -> memref<128xf32, #tpu.memory_space<vmem>>
    %dma_wait3A_63 = arith.constant 128 : i32
    %dma_wait3A_64 = tpu.memref_slice %arg6[%dma_wait3A_63] : memref<512xi32, #tpu.memory_space<vmem>> -> memref<128xi32, #tpu.memory_space<vmem>>
    %dma_wait3A_65 = arith.constant 0 : i32
    %dma_wait3A_66 = tpu.memref_slice %arg2[%dma_wait3A_65] : memref<1000000xf32, #tpu.memory_space<hbm>> -> memref<1000000xf32, #tpu.memory_space<hbm>>
    tpu.wait_indirect_dma semaphore(%arg9 : memref<!tpu.dma_semaphore, #tpu.memory_space<semaphore_mem>>) src(%dma_wait3A_66 : memref<1000000xf32, #tpu.memory_space<hbm>>) dst(%dma_wait3A_62 : memref<128xf32, #tpu.memory_space<vmem>>)
    %dma_wait3A_67 = arith.constant 128 : i32
    %dma_wait3A_68 = tpu.memref_slice %arg8[%dma_wait3A_67] : memref<512xf32, #tpu.memory_space<vmem>> -> memref<128xf32, #tpu.memory_space<vmem>>
    %dma_wait3A_69 = arith.constant 128 : i32
    %dma_wait3A_70 = tpu.memref_slice %arg6[%dma_wait3A_69] : memref<512xi32, #tpu.memory_space<vmem>> -> memref<128xi32, #tpu.memory_space<vmem>>
    %dma_wait3A_71 = arith.constant 0 : i32
    %dma_wait3A_72 = tpu.memref_slice %arg3[%dma_wait3A_71] : memref<1000000xf32, #tpu.memory_space<hbm>> -> memref<1000000xf32, #tpu.memory_space<hbm>>
    tpu.wait_indirect_dma semaphore(%arg9 : memref<!tpu.dma_semaphore, #tpu.memory_space<semaphore_mem>>) src(%dma_wait3A_72 : memref<1000000xf32, #tpu.memory_space<hbm>>) dst(%dma_wait3A_68 : memref<128xf32, #tpu.memory_space<vmem>>)
    %dma_wait3A_73 = arith.constant 256 : i32
    %dma_wait3A_74 = tpu.memref_slice %arg7[%dma_wait3A_73] : memref<512xf32, #tpu.memory_space<vmem>> -> memref<128xf32, #tpu.memory_space<vmem>>
    %dma_wait3A_75 = arith.constant 256 : i32
    %dma_wait3A_76 = tpu.memref_slice %arg6[%dma_wait3A_75] : memref<512xi32, #tpu.memory_space<vmem>> -> memref<128xi32, #tpu.memory_space<vmem>>
    %dma_wait3A_77 = arith.constant 0 : i32
    %dma_wait3A_78 = tpu.memref_slice %arg2[%dma_wait3A_77] : memref<1000000xf32, #tpu.memory_space<hbm>> -> memref<1000000xf32, #tpu.memory_space<hbm>>
    tpu.wait_indirect_dma semaphore(%arg9 : memref<!tpu.dma_semaphore, #tpu.memory_space<semaphore_mem>>) src(%dma_wait3A_78 : memref<1000000xf32, #tpu.memory_space<hbm>>) dst(%dma_wait3A_74 : memref<128xf32, #tpu.memory_space<vmem>>)
    %dma_wait3A_79 = arith.constant 256 : i32
    %dma_wait3A_80 = tpu.memref_slice %arg8[%dma_wait3A_79] : memref<512xf32, #tpu.memory_space<vmem>> -> memref<128xf32, #tpu.memory_space<vmem>>
    %dma_wait3A_81 = arith.constant 256 : i32
    %dma_wait3A_82 = tpu.memref_slice %arg6[%dma_wait3A_81] : memref<512xi32, #tpu.memory_space<vmem>> -> memref<128xi32, #tpu.memory_space<vmem>>
    %dma_wait3A_83 = arith.constant 0 : i32
    %dma_wait3A_84 = tpu.memref_slice %arg3[%dma_wait3A_83] : memref<1000000xf32, #tpu.memory_space<hbm>> -> memref<1000000xf32, #tpu.memory_space<hbm>>
    tpu.wait_indirect_dma semaphore(%arg9 : memref<!tpu.dma_semaphore, #tpu.memory_space<semaphore_mem>>) src(%dma_wait3A_84 : memref<1000000xf32, #tpu.memory_space<hbm>>) dst(%dma_wait3A_80 : memref<128xf32, #tpu.memory_space<vmem>>)
    %dma_wait3A_85 = arith.constant 384 : i32
    %dma_wait3A_86 = tpu.memref_slice %arg7[%dma_wait3A_85] : memref<512xf32, #tpu.memory_space<vmem>> -> memref<128xf32, #tpu.memory_space<vmem>>
    %dma_wait3A_87 = arith.constant 384 : i32
    %dma_wait3A_88 = tpu.memref_slice %arg6[%dma_wait3A_87] : memref<512xi32, #tpu.memory_space<vmem>> -> memref<128xi32, #tpu.memory_space<vmem>>
    %dma_wait3A_89 = arith.constant 0 : i32
    %dma_wait3A_90 = tpu.memref_slice %arg2[%dma_wait3A_89] : memref<1000000xf32, #tpu.memory_space<hbm>> -> memref<1000000xf32, #tpu.memory_space<hbm>>
    tpu.wait_indirect_dma semaphore(%arg9 : memref<!tpu.dma_semaphore, #tpu.memory_space<semaphore_mem>>) src(%dma_wait3A_90 : memref<1000000xf32, #tpu.memory_space<hbm>>) dst(%dma_wait3A_86 : memref<128xf32, #tpu.memory_space<vmem>>)
    %dma_wait3A_91 = arith.constant 384 : i32
    %dma_wait3A_92 = tpu.memref_slice %arg8[%dma_wait3A_91] : memref<512xf32, #tpu.memory_space<vmem>> -> memref<128xf32, #tpu.memory_space<vmem>>
    %dma_wait3A_93 = arith.constant 384 : i32
    %dma_wait3A_94 = tpu.memref_slice %arg6[%dma_wait3A_93] : memref<512xi32, #tpu.memory_space<vmem>> -> memref<128xi32, #tpu.memory_space<vmem>>
    %dma_wait3A_95 = arith.constant 0 : i32
    %dma_wait3A_96 = tpu.memref_slice %arg3[%dma_wait3A_95] : memref<1000000xf32, #tpu.memory_space<hbm>> -> memref<1000000xf32, #tpu.memory_space<hbm>>
    tpu.wait_indirect_dma semaphore(%arg9 : memref<!tpu.dma_semaphore, #tpu.memory_space<semaphore_mem>>) src(%dma_wait3A_96 : memref<1000000xf32, #tpu.memory_space<hbm>>) dst(%dma_wait3A_92 : memref<128xf32, #tpu.memory_space<vmem>>)
    "tpu.region"() ({
      %run_scoped3A = tpu.sem_alloc : memref<!tpu.dma_semaphore, #tpu.memory_space<semaphore_mem>>
      %dma_start3A_99 = tpu.memref_slice %arg5[%mul3A_2] : memref<32768xf32, #tpu.memory_space<hbm>> -> memref<512xf32, #tpu.memory_space<hbm>>
      %dma_start3A_100 = tpu.memref_slice %arg5[%mul3A_2] : memref<32768xf32, #tpu.memory_space<hbm>> -> memref<512xf32, #tpu.memory_space<hbm>>
      tpu.enqueue_dma source(%arg7 : memref<512xf32, #tpu.memory_space<vmem>>) target(%dma_start3A_100 : memref<512xf32, #tpu.memory_space<hbm>>) target_semaphore(%run_scoped3A : memref<!tpu.dma_semaphore, #tpu.memory_space<semaphore_mem>>)
      %dma_wait3A_101 = tpu.memref_slice %arg5[%mul3A_2] : memref<32768xf32, #tpu.memory_space<hbm>> -> memref<512xf32, #tpu.memory_space<hbm>>
      %dma_wait3A_102 = tpu.memref_slice %arg5[%mul3A_2] : memref<32768xf32, #tpu.memory_space<hbm>> -> memref<512xf32, #tpu.memory_space<hbm>>
      tpu.wait_dma2 semaphore(%run_scoped3A : memref<!tpu.dma_semaphore, #tpu.memory_space<semaphore_mem>>) src(%arg7 : memref<512xf32, #tpu.memory_space<vmem>>) dst(%dma_wait3A_102 : memref<512xf32, #tpu.memory_space<hbm>>)
      tpu.yield
    }) : () -> ()
    %add3A_97 = arith.constant 16384 : i32
    %add3A_98 = arith.addi %add3A_97, %mul3A_2 : i32
    "tpu.region"() ({
      %run_scoped3A = tpu.sem_alloc : memref<!tpu.dma_semaphore, #tpu.memory_space<semaphore_mem>>
      %dma_start3A_99 = tpu.memref_slice %arg5[%add3A_98] : memref<32768xf32, #tpu.memory_space<hbm>> -> memref<512xf32, #tpu.memory_space<hbm>>
      %dma_start3A_100 = tpu.memref_slice %arg5[%add3A_98] : memref<32768xf32, #tpu.memory_space<hbm>> -> memref<512xf32, #tpu.memory_space<hbm>>
      tpu.enqueue_dma source(%arg8 : memref<512xf32, #tpu.memory_space<vmem>>) target(%dma_start3A_100 : memref<512xf32, #tpu.memory_space<hbm>>) target_semaphore(%run_scoped3A : memref<!tpu.dma_semaphore, #tpu.memory_space<semaphore_mem>>)
      %dma_wait3A_101 = tpu.memref_slice %arg5[%add3A_98] : memref<32768xf32, #tpu.memory_space<hbm>> -> memref<512xf32, #tpu.memory_space<hbm>>
      %dma_wait3A_102 = tpu.memref_slice %arg5[%add3A_98] : memref<32768xf32, #tpu.memory_space<hbm>> -> memref<512xf32, #tpu.memory_space<hbm>>
      tpu.wait_dma2 semaphore(%run_scoped3A : memref<!tpu.dma_semaphore, #tpu.memory_space<semaphore_mem>>) src(%arg8 : memref<512xf32, #tpu.memory_space<vmem>>) dst(%dma_wait3A_102 : memref<512xf32, #tpu.memory_space<hbm>>)
      tpu.yield
    }) : () -> ()
    return
  }
}

module attributes {stable_mosaic.version = 14 : i64} {
  func.func @_mm_body(%arg0: i32, %arg1: memref<32x65536xf32, #tpu.memory_space<vmem>>, %arg2: memref<2x32xf32, #tpu.memory_space<vmem>>, %arg3: memref<1x2xf32, #tpu.memory_space<vmem>>, %arg4: memref<65536xf32, #tpu.memory_space<vmem>>, %arg5: memref<65536xf32, #tpu.memory_space<vmem>>) attributes {dimension_semantics = [#tpu.dimension_semantics<arbitrary>], iteration_bounds = array<i64: 16>, scalar_prefetch = 0 : i64, scratch_operands = 0 : i64, tpu.core_type = #tpu.core_type<tc>, window_params = [{pipeline_mode = #tpu.pipeline_mode<double_buffered>, transform_indices = @transform_0, window_bounds = array<i64: 32, 65536>}, {pipeline_mode = #tpu.pipeline_mode<synchronous>, transform_indices = @transform_1, window_bounds = array<i64: 2, 32>}, {pipeline_mode = #tpu.pipeline_mode<synchronous>, transform_indices = @transform_2, window_bounds = array<i64: 1, 2>}, {transform_indices = @transform_3, window_bounds = array<i64: 65536>}, {transform_indices = @transform_4, window_bounds = array<i64: 65536>}]} {
    %get3A = arith.constant 0 : index
    %get3A_0 = arith.constant 0 : index
    %get3A_1 = vector.load %arg1[%get3A, %get3A_0] : memref<32x65536xf32, #tpu.memory_space<vmem>>, vector<32x65536xf32>
    %get3A_2 = arith.constant 0 : index
    %get3A_3 = arith.constant 0 : index
    %get3A_4 = vector.load %arg2[%get3A_2, %get3A_3] : memref<2x32xf32, #tpu.memory_space<vmem>>, vector<2x32xf32>
    %get3A_5 = arith.constant 0 : index
    %get3A_6 = arith.constant 0 : index
    %get3A_7 = vector.load %arg3[%get3A_5, %get3A_6] : memref<1x2xf32, #tpu.memory_space<vmem>>, vector<1x2xf32>
    %dot_general3A = arith.constant dense<0.000000e+00> : vector<2x65536xf32>
    %dot_general3A_8 = tpu.matmul %get3A_4, %get3A_1, %dot_general3A {dimension_numbers = #tpu.dot_dimension_numbers<[1], [0], [0], [1], [0, 0, 1, 1], [], []>, transpose_lhs_hint = false} : vector<2x32xf32>, vector<32x65536xf32>, vector<2x65536xf32> -> vector<2x65536xf32>
    %slice3A = vector.extract_strided_slice %dot_general3A_8 {offsets = [0, 0], sizes = [1, 65536], strides = [1, 1]} : vector<2x65536xf32> to vector<1x65536xf32>
    %squeeze3A = vector.shape_cast %slice3A : vector<1x65536xf32> to vector<65536xf32>
    %slice3A_9 = vector.extract_strided_slice %get3A_7 {offsets = [0, 0], sizes = [1, 1], strides = [1, 1]} : vector<1x2xf32> to vector<1x1xf32>
    %squeeze3A_10 = vector.extract %slice3A_9[0, 0] : f32 from vector<1x1xf32>
    %add3A = vector.broadcast %squeeze3A_10 : f32 to vector<65536xf32>
    %add3A_11 = arith.addf %squeeze3A, %add3A : vector<65536xf32>
    %swap3A = arith.constant 0 : index
    %swap3A_12 = vector.load %arg4[%swap3A] : memref<65536xf32, #tpu.memory_space<vmem>>, vector<65536xf32>
    tpu.vector_store %arg4[%swap3A], %add3A_11 {strides = array<i32>} : memref<65536xf32, #tpu.memory_space<vmem>>, vector<65536xf32>,
    %slice3A_13 = vector.extract_strided_slice %dot_general3A_8 {offsets = [1, 0], sizes = [1, 65536], strides = [1, 1]} : vector<2x65536xf32> to vector<1x65536xf32>
    %squeeze3A_14 = vector.shape_cast %slice3A_13 : vector<1x65536xf32> to vector<65536xf32>
    %slice3A_15 = vector.extract_strided_slice %get3A_7 {offsets = [0, 1], sizes = [1, 1], strides = [1, 1]} : vector<1x2xf32> to vector<1x1xf32>
    %squeeze3A_16 = vector.extract %slice3A_15[0, 0] : f32 from vector<1x1xf32>
    %add3A_17 = vector.broadcast %squeeze3A_16 : f32 to vector<65536xf32>
    %add3A_18 = arith.addf %squeeze3A_14, %add3A_17 : vector<65536xf32>
    %swap3A_19 = arith.constant 0 : index
    %swap3A_20 = vector.load %arg5[%swap3A_19] : memref<65536xf32, #tpu.memory_space<vmem>>, vector<65536xf32>
    tpu.vector_store %arg5[%swap3A_19], %add3A_18 {strides = array<i32>} : memref<65536xf32, #tpu.memory_space<vmem>>, vector<65536xf32>,
    return
  }
  func.func @transform_0(%arg0: i32) -> (i32, i32) {
    %c0_i32 = arith.constant 0 : i32
    %c0_i32_0 = arith.constant 0 : i32
    return %c0_i32, %arg0 : i32, i32
  }
  func.func @transform_1(%arg0: i32) -> (i32, i32) {
    %c0_i32 = arith.constant 0 : i32
    %c0_i32_0 = arith.constant 0 : i32
    %c0_i32_1 = arith.constant 0 : i32
    return %c0_i32, %c0_i32_0 : i32, i32
  }
  func.func @transform_2(%arg0: i32) -> (i32, i32) {
    %c0_i32 = arith.constant 0 : i32
    %c0_i32_0 = arith.constant 0 : i32
    %c0_i32_1 = arith.constant 0 : i32
    return %c0_i32, %c0_i32_0 : i32, i32
  }
  func.func @transform_3(%arg0: i32) -> i32 {
    %c0_i32 = arith.constant 0 : i32
    return %arg0 : i32
  }
  func.func @transform_4(%arg0: i32) -> i32 {
    %c0_i32 = arith.constant 0 : i32
    return %arg0 : i32
  }
}

</mosaic_0001>

<sc_bundles>
// kernel: kernel.4.cloned.1.call-start
scs
__scs_entry_jumppad:
0x0: {  	(pc) =	sbr.rel $0x88, $3  }
0x1: {  	(tag) =	ssettag $0x0;
	lr =	simm.s32 $0x1  }
0x2: {  	[smem:$0x3F9D] =	sst lr;
	_ =	strace $0xD0000000  }
0x3: {  	_ = 	snop  }
0x4: {  	_ = 	snop  }
0x5: {  	_ = 	snop  }
0x6: {  	_ = 	snop  }
0x7: {  	_ = 	snop  }
__scs_overlays_trampoline_lowered:
0x8: {  	[smem:$0x3FAC] =	sst s0  }
0x9: {  	[smem:$0x3FAD] =	sst s1  }
0xa: {  	[smem:$0x3FAE] =	sst s2  }
0xb: {  	[smem:$0x3FAF] =	sst s3  }
0xc: {  	[smem:$0x3FB0] =	sst s4  }
0xd: {  	[smem:$0x3FB1] =	sst s5  }
0xe: {  	[smem:$0x3FB2] =	sst s6  }
0xf: {  	[smem:$0x3FB3] =	sst s7  }
0x10: {  	[smem:$0x3FB4] =	sst s8  }
0x11: {  	[smem:$0x3FB5] =	sst s9;
	s0 =	simm.s32 @!p0 $0x0  }
0x12: {  	s1 =	sld [smem:$0x3F9B];
	s0 =	simm.s32 @p0 $0x1  }
0x13: {  	[smem:$0x3FB6] =	sst s0;
	s0 =	simm.s32 @!p1 $0x0  }
0x14: {  	s2 =	sld [smem:$0x3F9A];
	s0 =	simm.s32 @p1 $0x1  }
0x15: {  	[smem:$0x3FB7] =	sst s0;
	s0 =	simm.s32 @!p2 $0x0  }
0x16: {  	s3 =	sld [smem:$0x3FDB];
	s0 =	simm.s32 @p2 $0x1  }
0x17: {  	s4 =	simm.s32 $0x1BF5;
	[smem:$0x3FB9] =	sst s0  }
0x18: {  	s0 =	sld [smem:$0x3F9C];
	_ =	swait.ge [sflag:s4], $0x0  }
0x19: {  	s7 =	sld [smem:$0x3F9D]  }
0x1a: {  	s8 =	sadd.s32 $0xFFFFE003, lr  }
0x1b: {  	s9 =	sadd.s32 $0xFFFFFEF7, lr;
	s5 =	simm.s32 $0xFFFFFFFF;
	p2 =	slt.u32 s8, $0xFFFFF086  }
0x1c: {  	p1 =	slt.u32 s9, $0xF7A;
	s5 =	simm.s32 @!p2 $0x0  }
0x1d: {  	s5 =	simm.s32 @p1 $0x1;
	p0 =	seq.s32 s7, s2  }
0x1e: {  	s7 =	smul.u32 @!p0 $0xF7A, s2;
	p2 =	seq.s32 @!p0 s5, $0x0  }
0x1f: {  	s9 =	smul.u32 $0xF7A, s1;
	s8 =	simm.s32 @!p0 $0x1BF5;
	p2 =	por !p2, p0  }
0x20: {  	[sflag:s8] =	ssyncset.s32 @!p0 $0xFFFFF086;
	s6 =	sadd.s32 @!p0 s3, s7;
	s7 =	simm.s32 @!p0 $0x108  }
0x21: {  	s3 =	sadd.s32 s3, s9;
	s6 =	sadd.s32 @!p0 $0x88, s6;
	s7 =	simm.s32 @p2 $0x1082  }
0x22: {  	[simem:s7], [sflag:s8] =	dma.local @!p0 [hbm:s6], $0xF7A  }
0x23: {  	s9 =	sor.u32 $0xD0000000, s2;
	s6 =	simm.s32 $0x108;
	_ =	swait.ge @!p0 [sflag:s8], $0x0  }
0x24: {  	s3 =	sadd.s32 $0x88, s3;
	s6 =	simm.s32 @!p1 $0x1082;
	[sflag:s4] =	ssyncset.s32 $0xFFFFF086  }
0x25: {  	[simem:s6], [sflag:s4] =	dma.local [hbm:s3], $0xF7A  }
0x26: {  	[smem:$0x3F9D] =	sst s1;
	(tag) =	ssettag s2;
	_ =	strace s9  }
0x27: {  	s1 =	sld [smem:$0x3FAD]  }
0x28: {  	s2 =	sld [smem:$0x3FAE]  }
0x29: {  	s4 =	sld [smem:$0x3FB0]  }
0x2a: {  	p0 =	seq.s32 s5, $0x0;
	s5 =	sld [smem:$0x3FB1]  }
0x2b: {  	s6 =	sld [smem:$0x3FB2]  }
0x2c: {  	s7 =	sld [smem:$0x3FB3]  }
0x2d: {  	s3 =	simm.s32 $0x108;
	s8 =	sld [smem:$0x3FB4]  }
0x2e: {  	s3 =	simm.s32 @!p0 $0x1082;
	s9 =	sld [smem:$0x3FB5]  }
0x2f: {  	lr =	sadd.s32 s0, s3;
	s0 =	sld [smem:$0x3FAC]  }
0x30: {  	s3 =	sld [smem:$0x3FAF]  }
0x31: {  	[smem:$0x3FB8] =	sst s10  }
0x32: {  	s10 =	sld [smem:$0x3FB6];
	_ =	sdelay $0x3  }
0x33: {  	p0 =	seq.s32 s10, $0x1;
	s10 =	sld [smem:$0x3FB8];
	_ =	sdelay $0x3  }
0x34: {  	[smem:$0x3FB8] =	sst s10  }
0x35: {  	s10 =	sld [smem:$0x3FB7];
	_ =	sdelay $0x3  }
0x36: {  	p1 =	seq.s32 s10, $0x1;
	s10 =	sld [smem:$0x3FB8];
	_ =	sdelay $0x3  }
0x37: {  	[smem:$0x3FB8] =	sst s10  }
0x38: {  	s10 =	sld [smem:$0x3FB9]  }
0x39: {  	_ = 	snop;
	(pc) =	sbr.ind lr, $3  }
0x3a: {  	_ = 	snop  }
0x3b: {  	_ = 	snop  }
0x3c: {  	p2 =	seq.s32 s10, $0x1;
	s10 =	sld [smem:$0x3FB8]  }
0x3d: {  	_ =	shalt  }
0x3e: {  	_ =	shalt  }
0x3f: {  	_ =	shalt  }
0x40: {  	_ =	shalt  }
0x41: {  	_ =	shalt  }
0x42: {  	_ =	shalt  }
0x43: {  	_ =	shalt  }
0x44: {  	_ =	shalt  }
0x45: {  	_ =	shalt  }
0x46: {  	_ =	shalt  }
0x47: {  	_ =	shalt  }
0x48: {  	_ =	shalt  }
0x49: {  	_ =	shalt  }
0x4a: {  	_ =	shalt  }
0x4b: {  	_ =	shalt  }
0x4c: {  	_ =	shalt  }
0x4d: {  	_ =	shalt  }
0x4e: {  	_ =	shalt  }
0x4f: {  	_ =	shalt  }
0x50: {  	_ =	shalt  }
0x51: {  	_ =	shalt  }
0x52: {  	_ =	shalt  }
0x53: {  	_ =	shalt  }
0x54: {  	_ =	shalt  }
0x55: {  	_ =	shalt  }
0x56: {  	_ =	shalt  }
0x57: {  	_ =	shalt  }
0x58: {  	_ =	shalt  }
0x59: {  	_ =	shalt  }
0x5a: {  	_ =	shalt  }
0x5b: {  	_ =	shalt  }
0x5c: {  	_ =	shalt  }
0x5d: {  	_ =	shalt  }
0x5e: {  	_ =	shalt  }
0x5f: {  	_ =	shalt  }
0x60: {  	_ =	shalt  }
0x61: {  	_ =	shalt  }
0x62: {  	_ =	shalt  }
0x63: {  	_ =	shalt  }
0x64: {  	_ =	shalt  }
0x65: {  	_ =	shalt  }
0x66: {  	_ =	shalt  }
0x67: {  	_ =	shalt  }
0x68: {  	_ =	shalt  }
0x69: {  	_ =	shalt  }
0x6a: {  	_ =	shalt  }
0x6b: {  	_ =	shalt  }
0x6c: {  	_ =	shalt  }
0x6d: {  	_ =	shalt  }
0x6e: {  	_ =	shalt  }
0x6f: {  	_ =	shalt  }
0x70: {  	_ =	shalt  }
0x71: {  	_ =	shalt  }
0x72: {  	_ =	shalt  }
0x73: {  	_ =	shalt  }
0x74: {  	_ =	shalt  }
0x75: {  	_ =	shalt  }
0x76: {  	_ =	shalt  }
0x77: {  	_ =	shalt  }
0x78: {  	_ =	shalt  }
0x79: {  	_ =	shalt  }
0x7a: {  	_ =	shalt  }
0x7b: {  	_ =	shalt  }
0x7c: {  	_ =	shalt  }
0x7d: {  	_ =	shalt  }
0x7e: {  	_ =	shalt  }
0x7f: {  	_ =	shalt  }
0x80: {  	_ =	shalt  }
0x81: {  	_ =	shalt  }
0x82: {  	_ =	shalt  }
0x83: {  	_ =	shalt  }
0x84: {  	_ =	shalt  }
0x85: {  	_ =	shalt  }
0x86: {  	_ =	shalt  }
0x87: {  	_ =	shalt  }
.Lfunc_end0:
.L_simem_size_0:
called_computation_lowered:
.L_overlay_start_0:
0x88: {  	s2 =	sld [smem:$0x3FD9]  }
0x89: {  	s3 =	sld [smem:$0x3FFE];
	_ =	sdelay $0x1  }
0x8a: {  	s1 =	srdreg.scid  }
0x8b: {  	s0 =	sand.u32 $0x1, s1  }
0x8c: {  	s17 =	sshll.u32 s0, $0xA;
	s2 =	sadd.s32 s3, s2  }
0x8d: {  	s2 =	sadd.s32 s2, s17  }
0x8e: {  	[smem:$0x3FC4] =	sst s2  }
0x8f: {  	_ = 	snop  }
0x90: {  	s2 =	sld [smem:$0x3FC9];
	(tm) =	ssettm $0x1  }
0x91: {  	s18 =	sld [smem:$0x3FFB];
	_ =	sdelay $0x3  }
0x92: {  	_ =	strace s18  }
0x93: {  	s3 =	sld [smem:$0x3FFC];
	_ =	sdelay $0x3  }
0x94: {  	_ =	strace s3  }
0x95: {  	s3 =	sld [smem:$0x3FFD];
	_ =	sdelay $0x3  }
0x96: {  	_ =	strace s3  }
0x97: {  	_ =	strace $0x8FFFFFFF  }
0x98: {  	s19 =	sld [smem:$0x3FDB];
	_ =	sdelay $0x1  }
0x99: {  	s4 =	simm.s32 $_scs_section_size  }
0x9a: {  	s5 =	simm.s32 $_size__tile_overlayer_lowered;
	s6 =	simm.s32 $_tile_overlayer_lowered  }
0x9b: {  	s22 =	simm.s32 $0x1BFF;
	s21 =	sshll.u32 s6, $0x1;
	s3 =	sadd.s32 s4, s19  }
0x9c: {  	s7 =	simm.s32 $0x0;
	s20 =	sshll.u32 s5, $0x1;
	s5 =	sadd.s32 s21, s3  }
0x9d: {  	[timem:s7], [sflag:s22] =	dma.local [hbm:s5], s20  }
0x9e: {  	_ =	swait.ge [sflag:s22], s20  }
0x9f: {  	s4 =	ssub.s32 $0x0, s20;
	[sflag:s22] =	ssyncset.done $0x0  }
0xa0: {  	[sflag:s22] =	ssyncadd.s32 s4;
	_ =	sdelay $0x1  }
0xa1: {  	s23 =	simm.s32 $0x1B8B  }
0xa2: {  	_ =	swait.ge [sflag:s23], $0x1  }
0xa3: {  	[sflag:s23] =	ssyncset.done $0x0  }
0xa4: {  	s25 =	simm.s32 $0x1B8E;
	s24 =	sld [smem:$0x3FFE];
	[sflag:s23] =	ssyncadd.s32 $0xFFFFFFFF  }
0xa5: {  	s26 =	simm.s32 $execute0_lowered;
	[smem:$0x3FD2] =	sst s25  }
0xa6: {  	s5 =	sshll.u32 s26, $0x1;
	_ =	strace $0x80000046;
	[dreg:$0x1] =	wrdreg $0xFFFFFFFF  }
0xa7: {  	s28 =	simm.s32 $_size_execute0_lowered;
	s3 =	sadd.s32 s3, s5;
	[dreg:$0x0] =	wrdreg $0x0  }
0xa8: {  	s5 =	sshll.u32 s28, $0x1;
	[dreg:$0x2] =	wrdreg s3  }
0xa9: {  	[dreg:$0x3] =	wrdreg s5  }
0xaa: {  	[dreg:$0x4] =	wrdreg $0xC0  }
0xab: {  	_ =	task [dreg:s7], $0x5FFFF  }
0xac: {  	[dreg:$0x1] =	wrdreg $0xFFFFFFFF  }
0xad: {  	[dreg:$0x0] =	wrdreg $0x60  }
0xae: {  	[dreg:$0x2] =	wrdreg s24  }
0xaf: {  	[dreg:$0x3] =	wrdreg s2  }
0xb0: {  	[dreg:$0x4] =	wrdreg $0x9  }
0xb1: {  	_ =	task.clear_ibuf [dreg:s7], $0x5FFFF;
	_ =	strace $0x90000046  }
0xb2: {  	s29 =	simm.s32 $0x9;
	_ =	strace $0x80000048  }
0xb3: {  	_ =	swait.ge [sflag:s29], $0x1  }
0xb4: {  	[sflag:s29] =	ssyncadd.s32 $0xFFFFFFFF  }
0xb5: {  	_ =	strace $0x90000048  }
0xb6: {  	_ =	sfence  }
0xb7: {  	s30 =	sld [smem:$0x0];
	_ =	sdelay $0x2  }
0xb8: {  	s31 =	sshll.u32 s1, $0xD;
	s1 =	sshrl.u32 s1, $0x2  }
0xb9: {  	s3 =	sand.u32 $0x4000, s31;
	s1 =	sadd.s32 s1, s30  }
0xba: {  	s0 =	sor.u32 s3, s0;
	s1 =	sshll.u32 s1, $0x11  }
0xbb: {  	s0 =	sor.u32 s1, s0  }
0xbc: {  	s0 =	sadd.s32 $0x8F2B, s0  }
0xbd: {  	[sflag:s0] =	ssyncadd.remote.s32 $0x1  }
0xbe: {  	_ =	sfence.sel $0xFFFF  }
0xbf: {  	[dreg:$0x0] =	wrdreg $0xFFFFFFFF;
	(pc) =	sbr.abs _section_cstart, $3  }
0xc0: {  	[dreg:$0x1] =	wrdreg $0xFFFFFFFF  }
0xc1: {  	_ =	task.clear_ibuf [dreg:s7], $0x2FFFF;
	_ =	strace $0x9FFFFFFF  }
0xc2: {  	(tm) =	ssettm $0x7FFFFFFF  }
0xc3: {  	_ =	shalt  }
tec
execute0_lowered:
.L_overlay_start_1:
0x0: {  	(tag) =	ssettag $0x1  }
0x1: {  	s19 =	rddreg [dreg:$0x0]  }
0x2: {  	s3 =	rddreg [dreg:$0x1];
	s2 =	srdreg.scid  }
0x3: {  	s0 =	rddreg [dreg:$0x2];
	s1 =	stileid.u32;
	s20 =	sand.u32 $0x1, s2  }
0x4: {  	s2 =	simm.s32 $0x0;
	s4 =	sshll.u32 s1, $0x7;
	s5 =	sshll.u32 s20, $0x6  }
0x5: {  	[smem:$0x7FF] =	sst s2;
	s21 =	sor.u32 s5, s4  }
0x6: {  	_ =	strace $0x80000047;
	s4 =	sadd.s32 s3, s21;
	s3 =	simm.s32 $0x2  }
0x7: {  	[tilespmem:s2], [sflag:$0x2] =	stream.linear.gather [hbm4b:s4+s2], $0x200, $0x38;
	[tilespmem:$0x600] =	vst v63  }
0x8: {  	_ =	swait.ge [sflag:s3], $0x200  }
0x9: {  	s6 =	simm.s32 $0x80;
	[sflag:s3] =	ssyncset.done $0x0  }
0xa: {  	s7 =	simm.s32 $0x200;
	s5 =	sadd.s32 $0xE00, s19;
	[sflag:s3] =	ssyncadd.s32 $0xFFFFFE00  }
0xb: {  	[tilespmem:s7], [sflag:$0x1] =	stream.indirect.gather [hbm4b:s5+s6], $0x1, s2, s6, $0xb8;
	[tilespmem:$0x600] =	vst v63  }
0xc: {  	s9 =	simm.s32 $0x400;
	s8 =	sadd.s32 $0x1F800, s19  }
0xd: {  	[tilespmem:s9], [sflag:$0x1] =	stream.indirect.gather [hbm4b:s8+s6], $0x1, s2, s6, $0xb8;
	[tilespmem:$0x600] =	vst v63  }
0xe: {  	s10 =	simm.s32 $0x280  }
0xf: {  	[tilespmem:s10], [sflag:$0x1] =	stream.indirect.gather [hbm4b:s5+s6], $0x1, s6, s6, $0xb8;
	[tilespmem:$0x600] =	vst v63  }
0x10: {  	s11 =	simm.s32 $0x480  }
0x11: {  	[tilespmem:s11], [sflag:$0x1] =	stream.indirect.gather [hbm4b:s8+s6], $0x1, s6, s6, $0xb8;
	[tilespmem:$0x600] =	vst v63  }
0x12: {  	s12 =	simm.s32 $0x100;
	s13 =	simm.s32 $0x300  }
0x13: {  	[tilespmem:s13], [sflag:$0x1] =	stream.indirect.gather [hbm4b:s5+s6], $0x1, s12, s6, $0xb8;
	[tilespmem:$0x600] =	vst v63  }
0x14: {  	s14 =	simm.s32 $0x500  }
0x15: {  	[tilespmem:s14], [sflag:$0x1] =	stream.indirect.gather [hbm4b:s8+s6], $0x1, s12, s6, $0xb8;
	[tilespmem:$0x600] =	vst v63  }
0x16: {  	s15 =	simm.s32 $0x180;
	s16 =	simm.s32 $0x380  }
0x17: {  	[tilespmem:s16], [sflag:$0x1] =	stream.indirect.gather [hbm4b:s5+s6], $0x1, s15, s6, $0xb8;
	[tilespmem:$0x600] =	vst v63  }
0x18: {  	s17 =	simm.s32 $0x580;
	s18 =	simm.s32 $0x1  }
0x19: {  	[tilespmem:s17], [sflag:$0x1] =	stream.indirect.gather [hbm4b:s8+s6], $0x1, s15, s6, $0xb8;
	[tilespmem:$0x600] =	vst v63  }
0x1a: {  	_ =	swait.ge [sflag:s18], $0x80  }
0x1b: {  	[sflag:s18] =	ssyncset.done $0x0  }
0x1c: {  	[sflag:s18] =	ssyncadd.s32 $0xFFFFFF80  }
0x1d: {  	_ =	swait.ge [sflag:s18], $0x80  }
0x1e: {  	[sflag:s18] =	ssyncset.done $0x0  }
0x1f: {  	[sflag:s18] =	ssyncadd.s32 $0xFFFFFF80  }
0x20: {  	_ =	swait.ge [sflag:s18], $0x80  }
0x21: {  	[sflag:s18] =	ssyncset.done $0x0  }
0x22: {  	[sflag:s18] =	ssyncadd.s32 $0xFFFFFF80  }
0x23: {  	_ =	swait.ge [sflag:s18], $0x80  }
0x24: {  	[sflag:s18] =	ssyncset.done $0x0  }
0x25: {  	[sflag:s18] =	ssyncadd.s32 $0xFFFFFF80  }
0x26: {  	_ =	swait.ge [sflag:s18], $0x80  }
0x27: {  	[sflag:s18] =	ssyncset.done $0x0  }
0x28: {  	[sflag:s18] =	ssyncadd.s32 $0xFFFFFF80  }
0x29: {  	_ =	swait.ge [sflag:s18], $0x80  }
0x2a: {  	[sflag:s18] =	ssyncset.done $0x0  }
0x2b: {  	[sflag:s18] =	ssyncadd.s32 $0xFFFFFF80  }
0x2c: {  	_ =	swait.ge [sflag:s18], $0x80  }
0x2d: {  	[sflag:s18] =	ssyncset.done $0x0  }
0x2e: {  	s20 =	ssub.s32 $0x2, s20;
	[sflag:s18] =	ssyncadd.s32 $0xFFFFFF80  }
0x2f: {  	s22 =	sshrl.u32 s20, $0x1;
	_ =	swait.ge [sflag:s18], $0x80  }
0x30: {  	s21 =	sadd.s32 s21, s19;
	s22 =	ssub.s32 s20, s22;
	[sflag:s18] =	ssyncset.done $0x0  }
0x31: {  	s19 =	sadd.s32 $0x3E200, s21;
	s31 =	smax.u32 s22, $0x1;
	[sflag:s18] =	ssyncadd.s32 $0xFFFFFF80  }
0x32: {  	[hbm4b:s19+s2] =	stream.linear.scatter [tilespmem:s7], [sflag:$0x2], $0x200, $0x38;
	[tilespmem:$0x600] =	vst v63  }
0x33: {  	p0 =	sne.s32 s31, $0x1;
	_ =	swait.ge [sflag:s3], $0x200  }
.Ltmp0:
0x34: {  	[sflag:s3] =	ssyncset.done $0x0;
	(pc) =	sbr.rel @!p0 .LBB2_2-.Ltmp0, $4  }
0x35: {  	s20 =	sadd.s32 $0x3EA00, s21;
	[sflag:s3] =	ssyncadd.s32 $0xFFFFFE00  }
0x36: {  	[hbm4b:s20+s2] =	stream.linear.scatter [tilespmem:s9], [sflag:$0x2], $0x200, $0x38;
	[tilespmem:$0x600] =	vst v63  }
0x37: {  	_ =	swait.ge [sflag:s3], $0x200  }
0x38: {  	s21 =	sadd.s32 $0xFFFFFFFF, s31;
	[sflag:s3] =	ssyncset.done $0x0  }
.LBB2_1:
0x39: {  	p0 =	sne.s32 s21, $0x1;
	s21 =	sadd.s32 $0xFFFFFFFF, s21;
	[sflag:s3] =	ssyncadd.s32 $0xFFFFFE00  }
0x3a: {  	[tilespmem:s2], [sflag:$0x2] =	stream.linear.gather [hbm4b:s4+s2], $0x200, $0x38;
	[tilespmem:$0x600] =	vst v63  }
0x3b: {  	_ =	swait.ge [sflag:s3], $0x200  }
0x3c: {  	[sflag:s3] =	ssyncset.done $0x0  }
0x3d: {  	[sflag:s3] =	ssyncadd.s32 $0xFFFFFE00  }
0x3e: {  	[tilespmem:s7], [sflag:$0x1] =	stream.indirect.gather [hbm4b:s5+s6], $0x1, s2, s6, $0xb8;
	[tilespmem:$0x600] =	vst v63  }
0x3f: {  	_ = 	snop  }
0x40: {  	[tilespmem:s9], [sflag:$0x1] =	stream.indirect.gather [hbm4b:s8+s6], $0x1, s2, s6, $0xb8;
	[tilespmem:$0x600] =	vst v63  }
0x41: {  	_ = 	snop  }
0x42: {  	[tilespmem:s10], [sflag:$0x1] =	stream.indirect.gather [hbm4b:s5+s6], $0x1, s6, s6, $0xb8;
	[tilespmem:$0x600] =	vst v63  }
0x43: {  	_ = 	snop  }
0x44: {  	[tilespmem:s11], [sflag:$0x1] =	stream.indirect.gather [hbm4b:s8+s6], $0x1, s6, s6, $0xb8;
	[tilespmem:$0x600] =	vst v63  }
0x45: {  	_ = 	snop  }
0x46: {  	[tilespmem:s13], [sflag:$0x1] =	stream.indirect.gather [hbm4b:s5+s6], $0x1, s12, s6, $0xb8;
	[tilespmem:$0x600] =	vst v63  }
0x47: {  	_ = 	snop  }
0x48: {  	[tilespmem:s14], [sflag:$0x1] =	stream.indirect.gather [hbm4b:s8+s6], $0x1, s12, s6, $0xb8;
	[tilespmem:$0x600] =	vst v63  }
0x49: {  	_ = 	snop  }
0x4a: {  	[tilespmem:s16], [sflag:$0x1] =	stream.indirect.gather [hbm4b:s5+s6], $0x1, s15, s6, $0xb8;
	[tilespmem:$0x600] =	vst v63  }
0x4b: {  	_ = 	snop  }
0x4c: {  	[tilespmem:s17], [sflag:$0x1] =	stream.indirect.gather [hbm4b:s8+s6], $0x1, s15, s6, $0xb8;
	[tilespmem:$0x600] =	vst v63  }
0x4d: {  	_ =	swait.ge [sflag:s18], $0x80  }
0x4e: {  	[sflag:s18] =	ssyncset.done $0x0  }
0x4f: {  	[sflag:s18] =	ssyncadd.s32 $0xFFFFFF80  }
0x50: {  	_ =	swait.ge [sflag:s18], $0x80  }
0x51: {  	[sflag:s18] =	ssyncset.done $0x0  }
0x52: {  	[sflag:s18] =	ssyncadd.s32 $0xFFFFFF80  }
0x53: {  	_ =	swait.ge [sflag:s18], $0x80  }
0x54: {  	[sflag:s18] =	ssyncset.done $0x0  }
0x55: {  	[sflag:s18] =	ssyncadd.s32 $0xFFFFFF80  }
0x56: {  	_ =	swait.ge [sflag:s18], $0x80  }
0x57: {  	[sflag:s18] =	ssyncset.done $0x0  }
0x58: {  	[sflag:s18] =	ssyncadd.s32 $0xFFFFFF80  }
0x59: {  	_ =	swait.ge [sflag:s18], $0x80  }
0x5a: {  	[sflag:s18] =	ssyncset.done $0x0  }
0x5b: {  	[sflag:s18] =	ssyncadd.s32 $0xFFFFFF80  }
0x5c: {  	_ =	swait.ge [sflag:s18], $0x80  }
0x5d: {  	[sflag:s18] =	ssyncset.done $0x0  }
0x5e: {  	[sflag:s18] =	ssyncadd.s32 $0xFFFFFF80  }
0x5f: {  	_ =	swait.ge [sflag:s18], $0x80  }
0x60: {  	[sflag:s18] =	ssyncset.done $0x0  }
0x61: {  	[sflag:s18] =	ssyncadd.s32 $0xFFFFFF80  }
0x62: {  	_ =	swait.ge [sflag:s18], $0x80  }
0x63: {  	[sflag:s18] =	ssyncset.done $0x0  }
0x64: {  	[sflag:s18] =	ssyncadd.s32 $0xFFFFFF80  }
0x65: {  	[hbm4b:s19+s2] =	stream.linear.scatter [tilespmem:s7], [sflag:$0x2], $0x200, $0x38;
	[tilespmem:$0x600] =	vst v63  }
0x66: {  	_ =	swait.ge [sflag:s3], $0x200  }
.Ltmp1:
0x67: {  	[sflag:s3] =	ssyncset.done $0x0;
	(pc) =	sbr.rel @p0 .LBB2_1-.Ltmp1, $4  }
0x68: {  	[sflag:s3] =	ssyncadd.s32 $0xFFFFFE00  }
0x69: {  	[hbm4b:s20+s2] =	stream.linear.scatter [tilespmem:s9], [sflag:$0x2], $0x200, $0x38;
	[tilespmem:$0x600] =	vst v63  }
0x6a: {  	_ =	swait.ge [sflag:s3], $0x200  }
0x6b: {  	[sflag:s3] =	ssyncset.done $0x0  }
.LBB2_2:
0x6c: {  	[sflag:s3] =	ssyncadd.s32 $0xFFFFFE00  }
0x6d: {  	_ =	sfence.sel $0x180000  }
0x6e: {  	[bflag:$0x0] =	sbarrier.arrive $0xFFFF  }
0x6f: {  	p0 =	sne.s32 s1, $0x0;
	_ =	strace $0x90000047  }
0x70: {  	s0 =	sadd.s32 @!p0 $0x100000, s0;
	[bflag:$0x2] =	sbarrier.arrive $0xFFFF  }
0x71: {  	[sflag:s0] =	ssyncadd.tile.s32 @!p0 $0x1;
	_ =	shalt  }
.Lfunc_end2:
_tile_overlayer_lowered:
.L_overlay_start_2:
0x72: {  	(tag) =	ssettag $0x2  }
0x73: {  	s0 =	rddreg [dreg:$0x0];
	s2 =	stileid.u32  }
0x74: {  	s1 =	rddreg [dreg:$0x1];
	p0 =	sne.s32 s2, $0x0  }
0x75: {  	s3 =	rddreg [dreg:$0x2];
	[bflag:$0x3] =	sbarrier.arrive $0xFFFF;
	s2 =	simm.s32 @!p0 $0x1C02  }
0x76: {  	[timem:s3], [sflag:s2] =	dma.local @!p0 [hbm:s0], s1  }
0x77: {  	s0 =	simm.s32 @!p0 $0x2  }
0x78: {  	_ =	swait.ge @!p0 [sflag:s0], s1  }
0x79: {  	s1 =	ssub.s32 @!p0 $0x0, s1;
	[sflag:s0] =	ssyncset.done @!p0 $0x0  }
0x7a: {  	[sflag:s0] =	ssyncadd.s32 @!p0 s1  }
0x7b: {  	[bflag:$0x3] =	sbarrier.arrive $0xFFFF  }
0x7c: {  	_ =	shalt  }

</sc_bundles>
